<compile_context>
chip_gen: v7x
topology: tpu7x:2x2x1
jax: 0.10.2.dev20260603
libtpu: 0.0.44.dev20260713+nightly
codegen_flags: <defaults>
</compile_context>

<pallas_src>
import functools

import jax
import jax.numpy as jnp
from jax import lax
from jax.experimental import pallas as pl
from jax.experimental.pallas import tpu as pltpu
from jax.experimental.pallas import tpu_sc as plsc

OUT_DIM = 64
VOCAB = 1_000_000
LANES = 16
TILE_C = 128
NTILES = OUT_DIM // LANES


def _embed_body(x_hbm, w_hbm, out_hbm, x_v, buf_v, out_v, sem):
    c = lax.axis_index("c")
    s = lax.axis_index("s")

    @pl.when(jnp.logical_and(c == 0, s < NTILES))
    def _():
        pltpu.sync_copy(x_hbm, x_v.at[pl.ds(0, 1)])
        xs = x_v[...][0]
        base = pl.multiple_of(xs & -TILE_C, TILE_C)
        off = xs & (TILE_C - 1)
        row0 = pl.multiple_of(s * LANES, LANES)
        pltpu.async_copy(
            w_hbm.at[pl.ds(row0, LANES), pl.ds(base, TILE_C)], buf_v, sem
        ).wait()
        lanes = lax.iota(jnp.int32, LANES)
        off16 = pl.multiple_of(off & -LANES, LANES)
        offmod = jnp.full((LANES,), off & (LANES - 1), dtype=jnp.int32)
        acc = jnp.zeros((LANES,), jnp.float32)
        for j in range(LANES):
            v = buf_v[j, pl.ds(off16, LANES)]
            picked = lax.gather(
                v,
                offmod[:, None],
                lax.GatherDimensionNumbers(
                    offset_dims=(),
                    collapsed_slice_dims=(0,),
                    start_index_map=(0,),
                ),
                slice_sizes=(1,),
                mode=lax.GatherScatterMode.PROMISE_IN_BOUNDS,
            )
            acc = jnp.where(lanes == j, picked, acc)
        out_v[...] = acc
        pltpu.sync_copy(out_v, out_hbm.at[pl.ds(row0, LANES)])


_embed = functools.partial(
    pl.kernel,
    out_type=jax.ShapeDtypeStruct((OUT_DIM,), jnp.float32),
    mesh=plsc.VectorSubcoreMesh(
        core_axis_name="c", subcore_axis_name="s", num_cores=1, num_subcores=NTILES
    ),
    scratch_types=[
        pltpu.VMEM((LANES,), jnp.int32),
        pltpu.VMEM((LANES, TILE_C), jnp.float32),
        pltpu.VMEM((LANES,), jnp.float32),
        pltpu.SemaphoreType.DMA,
    ],
)(_embed_body)


@jax.jit
def kernel(x, W):
    x1 = x.astype(jnp.int32).reshape((1,))
    return _embed(x1, W)

# --- scband reference (transcript-rebuilt; emitter-appended) ---
"""Pipeline reference for scband-enum-embedder-1331439862226 (READ-ONLY COPY).

The authoritative reference and input builder live on the scoring server;
editing this copy changes nothing except your own understanding.
"""

import jax, jax.numpy as jnp
import numpy as np

VOCAB = 1000000
OUT_DIM = 64


def setup_inputs(seed: int = 0) -> dict:
    key = jax.random.key(seed)
    k1, k2 = jax.random.split(key)
    # single enum index (module's eqx.nn.Linear is unbatched: expects a one-hot vector)
    x = jax.random.randint(k1, (1,), 0, VOCAB)
    # learned projection weight: eqx.nn.Linear(in=VOCAB, out=OUT_DIM, use_bias=False) -> weight [OUT_DIM, VOCAB]
    W = jax.random.normal(k2, (OUT_DIM, VOCAB), dtype=jnp.float32) * 0.02
    return {"x": x, "W": W}


def reference(x, W):
    # EnumEmbedder.__call__ with soft=False:
    #   x = jnp.squeeze(x); soft_hot = jax.nn.one_hot(x, vocab_size); return projection(soft_hot)
    xs = jnp.squeeze(x)
    soft_hot = jax.nn.one_hot(xs, VOCAB, dtype=W.dtype)
    # eqx.nn.Linear (no bias): weight @ x  -> equivalent to gathering column xs of W
    return W @ soft_hot

if __name__ == "__main__":
    import jax
    _d = setup_inputs()
    print(jax.jit(kernel)(*tuple(_d.values())))

</pallas_src>

<mosaic_0001>
#map = affine_map<(d0, d1) -> (0)>
#map1 = affine_map<(d0, d1) -> (0, 0)>
module attributes {stable_mosaic.version = 14 : i64} {
  func.func @_embed_body(%arg0: i32, %arg1: i32, %arg2: memref<1xi32, #tpu.memory_space<hbm>>, %arg3: memref<64x1000000xf32, #tpu.memory_space<hbm>>, %arg4: memref<64xf32, #tpu.memory_space<hbm>>, %arg5: memref<16xi32, #tpu.memory_space<vmem>>, %arg6: memref<16x128xf32, #tpu.memory_space<vmem>>, %arg7: memref<16xf32, #tpu.memory_space<vmem>>, %arg8: memref<!tpu.dma_semaphore, #tpu.memory_space<semaphore_mem>>) attributes {dimension_semantics = [#tpu.dimension_semantics<core_parallel>, #tpu.dimension_semantics<subcore_parallel>], iteration_bounds = array<i64: 1, 4>, scalar_prefetch = 0 : i64, scratch_operands = 4 : i64, tpu.core_type = #tpu.core_type<sc_vector_subcore>, window_params = [{transform_indices = #map}, {transform_indices = #map1}, {transform_indices = #map}]} {
    %eq3A = arith.constant 0 : i32
    %eq3A_0 = arith.cmpi eq, %arg0, %eq3A : i32
    %lt3A = arith.constant 4 : i32
    %lt3A_1 = arith.cmpi slt, %arg1, %lt3A : i32
    %and3A = arith.andi %eq3A_0, %lt3A_1 : i1
    %convert_element_type3A = arith.extui %and3A : i1 to i32
    %cond3A = arith.constant 0 : i32
    %cond3A_2 = arith.cmpi ne, %convert_element_type3A, %cond3A : i32
    scf.if %cond3A_2 {
      "tpu.region"() ({
        %run_scoped3A = tpu.sem_alloc : memref<!tpu.dma_semaphore, #tpu.memory_space<semaphore_mem>>
        %dma_start3A_213 = arith.constant 0 : i32
        %dma_start3A_214 = tpu.memref_slice %arg5[%dma_start3A_213] : memref<16xi32, #tpu.memory_space<vmem>> -> memref<1xi32, #tpu.memory_space<vmem>>
        %dma_start3A_215 = arith.constant 0 : i32
        %dma_start3A_216 = tpu.memref_slice %arg5[%dma_start3A_215] : memref<16xi32, #tpu.memory_space<vmem>> -> memref<1xi32, #tpu.memory_space<vmem>>
        tpu.enqueue_dma source(%arg2 : memref<1xi32, #tpu.memory_space<hbm>>) target(%dma_start3A_216 : memref<1xi32, #tpu.memory_space<vmem>>) target_semaphore(%run_scoped3A : memref<!tpu.dma_semaphore, #tpu.memory_space<semaphore_mem>>)
        %dma_wait3A_217 = arith.constant 0 : i32
        %dma_wait3A_218 = tpu.memref_slice %arg5[%dma_wait3A_217] : memref<16xi32, #tpu.memory_space<vmem>> -> memref<1xi32, #tpu.memory_space<vmem>>
        %dma_wait3A_219 = arith.constant 0 : i32
        %dma_wait3A_220 = tpu.memref_slice %arg5[%dma_wait3A_219] : memref<16xi32, #tpu.memory_space<vmem>> -> memref<1xi32, #tpu.memory_space<vmem>>
        tpu.wait_dma2 semaphore(%run_scoped3A : memref<!tpu.dma_semaphore, #tpu.memory_space<semaphore_mem>>) src(%arg2 : memref<1xi32, #tpu.memory_space<hbm>>) dst(%dma_wait3A_220 : memref<1xi32, #tpu.memory_space<vmem>>)
        tpu.yield
      }) : () -> ()
      %get3A = arith.constant 0 : index
      %get3A_3 = tpu.vector_load %arg5[%get3A] {strides = array<i32>} : memref<16xi32, #tpu.memory_space<vmem>>, vector<16xi32>,
      %get3A_4 = vector.shape_cast %get3A_3 : vector<16xi32> to vector<16xi32>
      %slice3A = vector.extract_strided_slice %get3A_4 {offsets = [0], sizes = [1], strides = [1]} : vector<16xi32> to vector<1xi32>
      %squeeze3A = vector.extract %slice3A[0] : i32 from vector<1xi32>
      %and3A_5 = arith.constant -128 : i32
      %and3A_6 = arith.andi %squeeze3A, %and3A_5 : i32
      %multiple_of3A = tpu.assume_multiple %and3A_6, 128 : i32
      %and3A_7 = arith.constant 127 : i32
      %and3A_8 = arith.andi %squeeze3A, %and3A_7 : i32
      %mul3A = arith.constant 16 : i32
      %mul3A_9 = arith.muli %arg1, %mul3A : i32
      %multiple_of3A_10 = tpu.assume_multiple %mul3A_9, 16 : i32
      %dma_start3A = tpu.memref_slice %arg3[%multiple_of3A_10, %multiple_of3A] : memref<64x1000000xf32, #tpu.memory_space<hbm>> -> memref<16x128xf32, #tpu.memory_space<hbm>>
      %dma_start3A_11 = tpu.memref_slice %arg3[%multiple_of3A_10, %multiple_of3A] : memref<64x1000000xf32, #tpu.memory_space<hbm>> -> memref<16x128xf32, #tpu.memory_space<hbm>>
      tpu.enqueue_dma source(%dma_start3A_11 : memref<16x128xf32, #tpu.memory_space<hbm>>) target(%arg6 : memref<16x128xf32, #tpu.memory_space<vmem>>) target_semaphore(%arg8 : memref<!tpu.dma_semaphore, #tpu.memory_space<semaphore_mem>>)
      %dma_wait3A = tpu.memref_slice %arg3[%multiple_of3A_10, %multiple_of3A] : memref<64x1000000xf32, #tpu.memory_space<hbm>> -> memref<16x128xf32, #tpu.memory_space<hbm>>
      %dma_wait3A_12 = tpu.memref_slice %arg3[%multiple_of3A_10, %multiple_of3A] : memref<64x1000000xf32, #tpu.memory_space<hbm>> -> memref<16x128xf32, #tpu.memory_space<hbm>>
      tpu.wait_dma2 semaphore(%arg8 : memref<!tpu.dma_semaphore, #tpu.memory_space<semaphore_mem>>) src(%dma_wait3A_12 : memref<16x128xf32, #tpu.memory_space<hbm>>) dst(%arg6 : memref<16x128xf32, #tpu.memory_space<vmem>>)
      %iota3A = tpu.iota {dimensions = array<i32: 0>} : vector<16xi32>
      %and3A_13 = arith.constant -16 : i32
      %and3A_14 = arith.andi %and3A_8, %and3A_13 : i32
      %multiple_of3A_15 = tpu.assume_multiple %and3A_14, 16 : i32
      %and3A_16 = arith.constant 15 : i32
      %and3A_17 = arith.andi %and3A_8, %and3A_16 : i32
      %broadcast_in_dim3A = vector.broadcast %and3A_17 : i32 to vector<16xi32>
      %broadcast_in_dim3A_18 = arith.constant 0.000000e+00 : f32
      %broadcast_in_dim3A_19 = vector.broadcast %broadcast_in_dim3A_18 : f32 to vector<16xf32>
      %get3A_20 = arith.constant 0 : i32
      %get3A_21 = arith.index_cast %get3A_20 : i32 to index
      %get3A_22 = arith.index_cast %multiple_of3A_15 : i32 to index
      %get3A_23 = tpu.vector_load %arg6[%get3A_21, %get3A_22] {strides = array<i32>} : memref<16x128xf32, #tpu.memory_space<vmem>>, vector<1x16xf32>,
      %get3A_24 = vector.shape_cast %get3A_23 : vector<1x16xf32> to vector<16xf32>
      %broadcast_in_dim3A_25 = vector.shape_cast %broadcast_in_dim3A : vector<16xi32> to vector<16x1xi32>
      %gather3A = vector.shape_cast %broadcast_in_dim3A_25 : vector<16x1xi32> to vector<16xi32>
      %gather3A_26 = tpu.dynamic_gather %get3A_24[%gather3A] in [0] : vector<16xf32>, vector<16xi32> -> vector<16xf32>
      %eq3A_27 = arith.constant 0 : i32
      %eq3A_28 = vector.broadcast %eq3A_27 : i32 to vector<16xi32>
      %eq3A_29 = arith.cmpi eq, %iota3A, %eq3A_28 : vector<16xi32>
      %select_n3A = arith.select %eq3A_29, %gather3A_26, %broadcast_in_dim3A_19 : vector<16xi1>, vector<16xf32>
      %get3A_30 = arith.constant 1 : i32
      %get3A_31 = arith.index_cast %get3A_30 : i32 to index
      %get3A_32 = arith.index_cast %multiple_of3A_15 : i32 to index
      %get3A_33 = tpu.vector_load %arg6[%get3A_31, %get3A_32] {strides = array<i32>} : memref<16x128xf32, #tpu.memory_space<vmem>>, vector<1x16xf32>,
      %get3A_34 = vector.shape_cast %get3A_33 : vector<1x16xf32> to vector<16xf32>
      %broadcast_in_dim3A_35 = vector.shape_cast %broadcast_in_dim3A : vector<16xi32> to vector<16x1xi32>
      %gather3A_36 = vector.shape_cast %broadcast_in_dim3A_35 : vector<16x1xi32> to vector<16xi32>
      %gather3A_37 = tpu.dynamic_gather %get3A_34[%gather3A_36] in [0] : vector<16xf32>, vector<16xi32> -> vector<16xf32>
      %eq3A_38 = arith.constant 1 : i32
      %eq3A_39 = vector.broadcast %eq3A_38 : i32 to vector<16xi32>
      %eq3A_40 = arith.cmpi eq, %iota3A, %eq3A_39 : vector<16xi32>
      %select_n3A_41 = arith.select %eq3A_40, %gather3A_37, %select_n3A : vector<16xi1>, vector<16xf32>
      %get3A_42 = arith.constant 2 : i32
      %get3A_43 = arith.index_cast %get3A_42 : i32 to index
      %get3A_44 = arith.index_cast %multiple_of3A_15 : i32 to index
      %get3A_45 = tpu.vector_load %arg6[%get3A_43, %get3A_44] {strides = array<i32>} : memref<16x128xf32, #tpu.memory_space<vmem>>, vector<1x16xf32>,
      %get3A_46 = vector.shape_cast %get3A_45 : vector<1x16xf32> to vector<16xf32>
      %broadcast_in_dim3A_47 = vector.shape_cast %broadcast_in_dim3A : vector<16xi32> to vector<16x1xi32>
      %gather3A_48 = vector.shape_cast %broadcast_in_dim3A_47 : vector<16x1xi32> to vector<16xi32>
      %gather3A_49 = tpu.dynamic_gather %get3A_46[%gather3A_48] in [0] : vector<16xf32>, vector<16xi32> -> vector<16xf32>
      %eq3A_50 = arith.constant 2 : i32
      %eq3A_51 = vector.broadcast %eq3A_50 : i32 to vector<16xi32>
      %eq3A_52 = arith.cmpi eq, %iota3A, %eq3A_51 : vector<16xi32>
      %select_n3A_53 = arith.select %eq3A_52, %gather3A_49, %select_n3A_41 : vector<16xi1>, vector<16xf32>
      %get3A_54 = arith.constant 3 : i32
      %get3A_55 = arith.index_cast %get3A_54 : i32 to index
      %get3A_56 = arith.index_cast %multiple_of3A_15 : i32 to index
      %get3A_57 = tpu.vector_load %arg6[%get3A_55, %get3A_56] {strides = array<i32>} : memref<16x128xf32, #tpu.memory_space<vmem>>, vector<1x16xf32>,
      %get3A_58 = vector.shape_cast %get3A_57 : vector<1x16xf32> to vector<16xf32>
      %broadcast_in_dim3A_59 = vector.shape_cast %broadcast_in_dim3A : vector<16xi32> to vector<16x1xi32>
      %gather3A_60 = vector.shape_cast %broadcast_in_dim3A_59 : vector<16x1xi32> to vector<16xi32>
      %gather3A_61 = tpu.dynamic_gather %get3A_58[%gather3A_60] in [0] : vector<16xf32>, vector<16xi32> -> vector<16xf32>
      %eq3A_62 = arith.constant 3 : i32
      %eq3A_63 = vector.broadcast %eq3A_62 : i32 to vector<16xi32>
      %eq3A_64 = arith.cmpi eq, %iota3A, %eq3A_63 : vector<16xi32>
      %select_n3A_65 = arith.select %eq3A_64, %gather3A_61, %select_n3A_53 : vector<16xi1>, vector<16xf32>
      %get3A_66 = arith.constant 4 : i32
      %get3A_67 = arith.index_cast %get3A_66 : i32 to index
      %get3A_68 = arith.index_cast %multiple_of3A_15 : i32 to index
      %get3A_69 = tpu.vector_load %arg6[%get3A_67, %get3A_68] {strides = array<i32>} : memref<16x128xf32, #tpu.memory_space<vmem>>, vector<1x16xf32>,
      %get3A_70 = vector.shape_cast %get3A_69 : vector<1x16xf32> to vector<16xf32>
      %broadcast_in_dim3A_71 = vector.shape_cast %broadcast_in_dim3A : vector<16xi32> to vector<16x1xi32>
      %gather3A_72 = vector.shape_cast %broadcast_in_dim3A_71 : vector<16x1xi32> to vector<16xi32>
      %gather3A_73 = tpu.dynamic_gather %get3A_70[%gather3A_72] in [0] : vector<16xf32>, vector<16xi32> -> vector<16xf32>
      %eq3A_74 = arith.constant 4 : i32
      %eq3A_75 = vector.broadcast %eq3A_74 : i32 to vector<16xi32>
      %eq3A_76 = arith.cmpi eq, %iota3A, %eq3A_75 : vector<16xi32>
      %select_n3A_77 = arith.select %eq3A_76, %gather3A_73, %select_n3A_65 : vector<16xi1>, vector<16xf32>
      %get3A_78 = arith.constant 5 : i32
      %get3A_79 = arith.index_cast %get3A_78 : i32 to index
      %get3A_80 = arith.index_cast %multiple_of3A_15 : i32 to index
      %get3A_81 = tpu.vector_load %arg6[%get3A_79, %get3A_80] {strides = array<i32>} : memref<16x128xf32, #tpu.memory_space<vmem>>, vector<1x16xf32>,
      %get3A_82 = vector.shape_cast %get3A_81 : vector<1x16xf32> to vector<16xf32>
      %broadcast_in_dim3A_83 = vector.shape_cast %broadcast_in_dim3A : vector<16xi32> to vector<16x1xi32>
      %gather3A_84 = vector.shape_cast %broadcast_in_dim3A_83 : vector<16x1xi32> to vector<16xi32>
      %gather3A_85 = tpu.dynamic_gather %get3A_82[%gather3A_84] in [0] : vector<16xf32>, vector<16xi32> -> vector<16xf32>
      %eq3A_86 = arith.constant 5 : i32
      %eq3A_87 = vector.broadcast %eq3A_86 : i32 to vector<16xi32>
      %eq3A_88 = arith.cmpi eq, %iota3A, %eq3A_87 : vector<16xi32>
      %select_n3A_89 = arith.select %eq3A_88, %gather3A_85, %select_n3A_77 : vector<16xi1>, vector<16xf32>
      %get3A_90 = arith.constant 6 : i32
      %get3A_91 = arith.index_cast %get3A_90 : i32 to index
      %get3A_92 = arith.index_cast %multiple_of3A_15 : i32 to index
      %get3A_93 = tpu.vector_load %arg6[%get3A_91, %get3A_92] {strides = array<i32>} : memref<16x128xf32, #tpu.memory_space<vmem>>, vector<1x16xf32>,
      %get3A_94 = vector.shape_cast %get3A_93 : vector<1x16xf32> to vector<16xf32>
      %broadcast_in_dim3A_95 = vector.shape_cast %broadcast_in_dim3A : vector<16xi32> to vector<16x1xi32>
      %gather3A_96 = vector.shape_cast %broadcast_in_dim3A_95 : vector<16x1xi32> to vector<16xi32>
      %gather3A_97 = tpu.dynamic_gather %get3A_94[%gather3A_96] in [0] : vector<16xf32>, vector<16xi32> -> vector<16xf32>
      %eq3A_98 = arith.constant 6 : i32
      %eq3A_99 = vector.broadcast %eq3A_98 : i32 to vector<16xi32>
      %eq3A_100 = arith.cmpi eq, %iota3A, %eq3A_99 : vector<16xi32>
      %select_n3A_101 = arith.select %eq3A_100, %gather3A_97, %select_n3A_89 : vector<16xi1>, vector<16xf32>
      %get3A_102 = arith.constant 7 : i32
      %get3A_103 = arith.index_cast %get3A_102 : i32 to index
      %get3A_104 = arith.index_cast %multiple_of3A_15 : i32 to index
      %get3A_105 = tpu.vector_load %arg6[%get3A_103, %get3A_104] {strides = array<i32>} : memref<16x128xf32, #tpu.memory_space<vmem>>, vector<1x16xf32>,
      %get3A_106 = vector.shape_cast %get3A_105 : vector<1x16xf32> to vector<16xf32>
      %broadcast_in_dim3A_107 = vector.shape_cast %broadcast_in_dim3A : vector<16xi32> to vector<16x1xi32>
      %gather3A_108 = vector.shape_cast %broadcast_in_dim3A_107 : vector<16x1xi32> to vector<16xi32>
      %gather3A_109 = tpu.dynamic_gather %get3A_106[%gather3A_108] in [0] : vector<16xf32>, vector<16xi32> -> vector<16xf32>
      %eq3A_110 = arith.constant 7 : i32
      %eq3A_111 = vector.broadcast %eq3A_110 : i32 to vector<16xi32>
      %eq3A_112 = arith.cmpi eq, %iota3A, %eq3A_111 : vector<16xi32>
      %select_n3A_113 = arith.select %eq3A_112, %gather3A_109, %select_n3A_101 : vector<16xi1>, vector<16xf32>
      %get3A_114 = arith.constant 8 : i32
      %get3A_115 = arith.index_cast %get3A_114 : i32 to index
      %get3A_116 = arith.index_cast %multiple_of3A_15 : i32 to index
      %get3A_117 = tpu.vector_load %arg6[%get3A_115, %get3A_116] {strides = array<i32>} : memref<16x128xf32, #tpu.memory_space<vmem>>, vector<1x16xf32>,
      %get3A_118 = vector.shape_cast %get3A_117 : vector<1x16xf32> to vector<16xf32>
      %broadcast_in_dim3A_119 = vector.shape_cast %broadcast_in_dim3A : vector<16xi32> to vector<16x1xi32>
      %gather3A_120 = vector.shape_cast %broadcast_in_dim3A_119 : vector<16x1xi32> to vector<16xi32>
      %gather3A_121 = tpu.dynamic_gather %get3A_118[%gather3A_120] in [0] : vector<16xf32>, vector<16xi32> -> vector<16xf32>
      %eq3A_122 = arith.constant 8 : i32
      %eq3A_123 = vector.broadcast %eq3A_122 : i32 to vector<16xi32>
      %eq3A_124 = arith.cmpi eq, %iota3A, %eq3A_123 : vector<16xi32>
      %select_n3A_125 = arith.select %eq3A_124, %gather3A_121, %select_n3A_113 : vector<16xi1>, vector<16xf32>
      %get3A_126 = arith.constant 9 : i32
      %get3A_127 = arith.index_cast %get3A_126 : i32 to index
      %get3A_128 = arith.index_cast %multiple_of3A_15 : i32 to index
      %get3A_129 = tpu.vector_load %arg6[%get3A_127, %get3A_128] {strides = array<i32>} : memref<16x128xf32, #tpu.memory_space<vmem>>, vector<1x16xf32>,
      %get3A_130 = vector.shape_cast %get3A_129 : vector<1x16xf32> to vector<16xf32>
      %broadcast_in_dim3A_131 = vector.shape_cast %broadcast_in_dim3A : vector<16xi32> to vector<16x1xi32>
      %gather3A_132 = vector.shape_cast %broadcast_in_dim3A_131 : vector<16x1xi32> to vector<16xi32>
      %gather3A_133 = tpu.dynamic_gather %get3A_130[%gather3A_132] in [0] : vector<16xf32>, vector<16xi32> -> vector<16xf32>
      %eq3A_134 = arith.constant 9 : i32
      %eq3A_135 = vector.broadcast %eq3A_134 : i32 to vector<16xi32>
      %eq3A_136 = arith.cmpi eq, %iota3A, %eq3A_135 : vector<16xi32>
      %select_n3A_137 = arith.select %eq3A_136, %gather3A_133, %select_n3A_125 : vector<16xi1>, vector<16xf32>
      %get3A_138 = arith.constant 10 : i32
      %get3A_139 = arith.index_cast %get3A_138 : i32 to index
      %get3A_140 = arith.index_cast %multiple_of3A_15 : i32 to index
      %get3A_141 = tpu.vector_load %arg6[%get3A_139, %get3A_140] {strides = array<i32>} : memref<16x128xf32, #tpu.memory_space<vmem>>, vector<1x16xf32>,
      %get3A_142 = vector.shape_cast %get3A_141 : vector<1x16xf32> to vector<16xf32>
      %broadcast_in_dim3A_143 = vector.shape_cast %broadcast_in_dim3A : vector<16xi32> to vector<16x1xi32>
      %gather3A_144 = vector.shape_cast %broadcast_in_dim3A_143 : vector<16x1xi32> to vector<16xi32>
      %gather3A_145 = tpu.dynamic_gather %get3A_142[%gather3A_144] in [0] : vector<16xf32>, vector<16xi32> -> vector<16xf32>
      %eq3A_146 = arith.constant 10 : i32
      %eq3A_147 = vector.broadcast %eq3A_146 : i32 to vector<16xi32>
      %eq3A_148 = arith.cmpi eq, %iota3A, %eq3A_147 : vector<16xi32>
      %select_n3A_149 = arith.select %eq3A_148, %gather3A_145, %select_n3A_137 : vector<16xi1>, vector<16xf32>
      %get3A_150 = arith.constant 11 : i32
      %get3A_151 = arith.index_cast %get3A_150 : i32 to index
      %get3A_152 = arith.index_cast %multiple_of3A_15 : i32 to index
      %get3A_153 = tpu.vector_load %arg6[%get3A_151, %get3A_152] {strides = array<i32>} : memref<16x128xf32, #tpu.memory_space<vmem>>, vector<1x16xf32>,
      %get3A_154 = vector.shape_cast %get3A_153 : vector<1x16xf32> to vector<16xf32>
      %broadcast_in_dim3A_155 = vector.shape_cast %broadcast_in_dim3A : vector<16xi32> to vector<16x1xi32>
      %gather3A_156 = vector.shape_cast %broadcast_in_dim3A_155 : vector<16x1xi32> to vector<16xi32>
      %gather3A_157 = tpu.dynamic_gather %get3A_154[%gather3A_156] in [0] : vector<16xf32>, vector<16xi32> -> vector<16xf32>
      %eq3A_158 = arith.constant 11 : i32
      %eq3A_159 = vector.broadcast %eq3A_158 : i32 to vector<16xi32>
      %eq3A_160 = arith.cmpi eq, %iota3A, %eq3A_159 : vector<16xi32>
      %select_n3A_161 = arith.select %eq3A_160, %gather3A_157, %select_n3A_149 : vector<16xi1>, vector<16xf32>
      %get3A_162 = arith.constant 12 : i32
      %get3A_163 = arith.index_cast %get3A_162 : i32 to index
      %get3A_164 = arith.index_cast %multiple_of3A_15 : i32 to index
      %get3A_165 = tpu.vector_load %arg6[%get3A_163, %get3A_164] {strides = array<i32>} : memref<16x128xf32, #tpu.memory_space<vmem>>, vector<1x16xf32>,
      %get3A_166 = vector.shape_cast %get3A_165 : vector<1x16xf32> to vector<16xf32>
      %broadcast_in_dim3A_167 = vector.shape_cast %broadcast_in_dim3A : vector<16xi32> to vector<16x1xi32>
      %gather3A_168 = vector.shape_cast %broadcast_in_dim3A_167 : vector<16x1xi32> to vector<16xi32>
      %gather3A_169 = tpu.dynamic_gather %get3A_166[%gather3A_168] in [0] : vector<16xf32>, vector<16xi32> -> vector<16xf32>
      %eq3A_170 = arith.constant 12 : i32
      %eq3A_171 = vector.broadcast %eq3A_170 : i32 to vector<16xi32>
      %eq3A_172 = arith.cmpi eq, %iota3A, %eq3A_171 : vector<16xi32>
      %select_n3A_173 = arith.select %eq3A_172, %gather3A_169, %select_n3A_161 : vector<16xi1>, vector<16xf32>
      %get3A_174 = arith.constant 13 : i32
      %get3A_175 = arith.index_cast %get3A_174 : i32 to index
      %get3A_176 = arith.index_cast %multiple_of3A_15 : i32 to index
      %get3A_177 = tpu.vector_load %arg6[%get3A_175, %get3A_176] {strides = array<i32>} : memref<16x128xf32, #tpu.memory_space<vmem>>, vector<1x16xf32>,
      %get3A_178 = vector.shape_cast %get3A_177 : vector<1x16xf32> to vector<16xf32>
      %broadcast_in_dim3A_179 = vector.shape_cast %broadcast_in_dim3A : vector<16xi32> to vector<16x1xi32>
      %gather3A_180 = vector.shape_cast %broadcast_in_dim3A_179 : vector<16x1xi32> to vector<16xi32>
      %gather3A_181 = tpu.dynamic_gather %get3A_178[%gather3A_180] in [0] : vector<16xf32>, vector<16xi32> -> vector<16xf32>
      %eq3A_182 = arith.constant 13 : i32
      %eq3A_183 = vector.broadcast %eq3A_182 : i32 to vector<16xi32>
      %eq3A_184 = arith.cmpi eq, %iota3A, %eq3A_183 : vector<16xi32>
      %select_n3A_185 = arith.select %eq3A_184, %gather3A_181, %select_n3A_173 : vector<16xi1>, vector<16xf32>
      %get3A_186 = arith.constant 14 : i32
      %get3A_187 = arith.index_cast %get3A_186 : i32 to index
      %get3A_188 = arith.index_cast %multiple_of3A_15 : i32 to index
      %get3A_189 = tpu.vector_load %arg6[%get3A_187, %get3A_188] {strides = array<i32>} : memref<16x128xf32, #tpu.memory_space<vmem>>, vector<1x16xf32>,
      %get3A_190 = vector.shape_cast %get3A_189 : vector<1x16xf32> to vector<16xf32>
      %broadcast_in_dim3A_191 = vector.shape_cast %broadcast_in_dim3A : vector<16xi32> to vector<16x1xi32>
      %gather3A_192 = vector.shape_cast %broadcast_in_dim3A_191 : vector<16x1xi32> to vector<16xi32>
      %gather3A_193 = tpu.dynamic_gather %get3A_190[%gather3A_192] in [0] : vector<16xf32>, vector<16xi32> -> vector<16xf32>
      %eq3A_194 = arith.constant 14 : i32
      %eq3A_195 = vector.broadcast %eq3A_194 : i32 to vector<16xi32>
      %eq3A_196 = arith.cmpi eq, %iota3A, %eq3A_195 : vector<16xi32>
      %select_n3A_197 = arith.select %eq3A_196, %gather3A_193, %select_n3A_185 : vector<16xi1>, vector<16xf32>
      %get3A_198 = arith.constant 15 : i32
      %get3A_199 = arith.index_cast %get3A_198 : i32 to index
      %get3A_200 = arith.index_cast %multiple_of3A_15 : i32 to index
      %get3A_201 = tpu.vector_load %arg6[%get3A_199, %get3A_200] {strides = array<i32>} : memref<16x128xf32, #tpu.memory_space<vmem>>, vector<1x16xf32>,
      %get3A_202 = vector.shape_cast %get3A_201 : vector<1x16xf32> to vector<16xf32>
      %broadcast_in_dim3A_203 = vector.shape_cast %broadcast_in_dim3A : vector<16xi32> to vector<16x1xi32>
      %gather3A_204 = vector.shape_cast %broadcast_in_dim3A_203 : vector<16x1xi32> to vector<16xi32>
      %gather3A_205 = tpu.dynamic_gather %get3A_202[%gather3A_204] in [0] : vector<16xf32>, vector<16xi32> -> vector<16xf32>
      %eq3A_206 = arith.constant 15 : i32
      %eq3A_207 = vector.broadcast %eq3A_206 : i32 to vector<16xi32>
      %eq3A_208 = arith.cmpi eq, %iota3A, %eq3A_207 : vector<16xi32>
      %select_n3A_209 = arith.select %eq3A_208, %gather3A_205, %select_n3A_197 : vector<16xi1>, vector<16xf32>
      %swap3A = arith.constant 0 : index
      %swap3A_210 = tpu.vector_load %arg7[%swap3A] {strides = array<i32>} : memref<16xf32, #tpu.memory_space<vmem>>, vector<16xf32>,
      %swap3A_211 = vector.shape_cast %swap3A_210 : vector<16xf32> to vector<16xf32>
      %swap3A_212 = vector.shape_cast %select_n3A_209 : vector<16xf32> to vector<16xf32>
      tpu.vector_store %arg7[%swap3A], %swap3A_212 {strides = array<i32>} : memref<16xf32, #tpu.memory_space<vmem>>, vector<16xf32>,
      "tpu.region"() ({
        %run_scoped3A = tpu.sem_alloc : memref<!tpu.dma_semaphore, #tpu.memory_space<semaphore_mem>>
        %dma_start3A_213 = tpu.memref_slice %arg4[%multiple_of3A_10] : memref<64xf32, #tpu.memory_space<hbm>> -> memref<16xf32, #tpu.memory_space<hbm>>
        %dma_start3A_214 = tpu.memref_slice %arg4[%multiple_of3A_10] : memref<64xf32, #tpu.memory_space<hbm>> -> memref<16xf32, #tpu.memory_space<hbm>>
        tpu.enqueue_dma source(%arg7 : memref<16xf32, #tpu.memory_space<vmem>>) target(%dma_start3A_214 : memref<16xf32, #tpu.memory_space<hbm>>) target_semaphore(%run_scoped3A : memref<!tpu.dma_semaphore, #tpu.memory_space<semaphore_mem>>)
        %dma_wait3A_215 = tpu.memref_slice %arg4[%multiple_of3A_10] : memref<64xf32, #tpu.memory_space<hbm>> -> memref<16xf32, #tpu.memory_space<hbm>>
        %dma_wait3A_216 = tpu.memref_slice %arg4[%multiple_of3A_10] : memref<64xf32, #tpu.memory_space<hbm>> -> memref<16xf32, #tpu.memory_space<hbm>>
        tpu.wait_dma2 semaphore(%run_scoped3A : memref<!tpu.dma_semaphore, #tpu.memory_space<semaphore_mem>>) src(%arg7 : memref<16xf32, #tpu.memory_space<vmem>>) dst(%dma_wait3A_216 : memref<16xf32, #tpu.memory_space<hbm>>)
        tpu.yield
      }) : () -> ()
    } else {
    }
    return
  }
}

</mosaic_0001>

<sc_bundles>
// kernel: kernel.3.cloned.1.call-start
scs
__scs_entry_jumppad:
0x0: {  	(pc) =	sbr.rel $0x88, $3  }
0x1: {  	(tag) =	ssettag $0x0;
	lr =	simm.s32 $0x1  }
0x2: {  	[smem:$0x3F9F] =	sst lr;
	_ =	strace $0xD0000000  }
0x3: {  	_ = 	snop  }
0x4: {  	_ = 	snop  }
0x5: {  	_ = 	snop  }
0x6: {  	_ = 	snop  }
0x7: {  	_ = 	snop  }
__scs_overlays_trampoline_lowered:
0x8: {  	[smem:$0x3FAE] =	sst s0  }
0x9: {  	[smem:$0x3FAF] =	sst s1  }
0xa: {  	[smem:$0x3FB0] =	sst s2  }
0xb: {  	[smem:$0x3FB1] =	sst s3  }
0xc: {  	[smem:$0x3FB2] =	sst s4  }
0xd: {  	[smem:$0x3FB3] =	sst s5  }
0xe: {  	[smem:$0x3FB4] =	sst s6  }
0xf: {  	[smem:$0x3FB5] =	sst s7  }
0x10: {  	[smem:$0x3FB6] =	sst s8  }
0x11: {  	[smem:$0x3FB7] =	sst s9;
	s0 =	simm.s32 @!p0 $0x0  }
0x12: {  	s1 =	sld [smem:$0x3F9D];
	s0 =	simm.s32 @p0 $0x1  }
0x13: {  	[smem:$0x3FB8] =	sst s0;
	s0 =	simm.s32 @!p1 $0x0  }
0x14: {  	s2 =	sld [smem:$0x3F9C];
	s0 =	simm.s32 @p1 $0x1  }
0x15: {  	[smem:$0x3FB9] =	sst s0;
	s0 =	simm.s32 @!p2 $0x0  }
0x16: {  	s3 =	sld [smem:$0x3FDB];
	s0 =	simm.s32 @p2 $0x1  }
0x17: {  	s4 =	simm.s32 $0x1BF5;
	[smem:$0x3FBB] =	sst s0  }
0x18: {  	s0 =	sld [smem:$0x3F9E];
	_ =	swait.ge [sflag:s4], $0x0  }
0x19: {  	s7 =	sld [smem:$0x3F9F]  }
0x1a: {  	s8 =	sadd.s32 $0xFFFFE003, lr  }
0x1b: {  	s9 =	sadd.s32 $0xFFFFFEF7, lr;
	s5 =	simm.s32 $0xFFFFFFFF;
	p2 =	slt.u32 s8, $0xFFFFF086  }
0x1c: {  	p1 =	slt.u32 s9, $0xF7A;
	s5 =	simm.s32 @!p2 $0x0  }
0x1d: {  	s5 =	simm.s32 @p1 $0x1;
	p0 =	seq.s32 s7, s2  }
0x1e: {  	s7 =	smul.u32 @!p0 $0xF7A, s2;
	p2 =	seq.s32 @!p0 s5, $0x0  }
0x1f: {  	s9 =	smul.u32 $0xF7A, s1;
	s8 =	simm.s32 @!p0 $0x1BF5;
	p2 =	por !p2, p0  }
0x20: {  	[sflag:s8] =	ssyncset.s32 @!p0 $0xFFFFF086;
	s6 =	sadd.s32 @!p0 s3, s7;
	s7 =	simm.s32 @!p0 $0x108  }
0x21: {  	s3 =	sadd.s32 s3, s9;
	s6 =	sadd.s32 @!p0 $0x88, s6;
	s7 =	simm.s32 @p2 $0x1082  }
0x22: {  	[simem:s7], [sflag:s8] =	dma.local @!p0 [hbm:s6], $0xF7A  }
0x23: {  	s9 =	sor.u32 $0xD0000000, s2;
	s6 =	simm.s32 $0x108;
	_ =	swait.ge @!p0 [sflag:s8], $0x0  }
0x24: {  	s3 =	sadd.s32 $0x88, s3;
	s6 =	simm.s32 @!p1 $0x1082;
	[sflag:s4] =	ssyncset.s32 $0xFFFFF086  }
0x25: {  	[simem:s6], [sflag:s4] =	dma.local [hbm:s3], $0xF7A  }
0x26: {  	[smem:$0x3F9F] =	sst s1;
	(tag) =	ssettag s2;
	_ =	strace s9  }
0x27: {  	s1 =	sld [smem:$0x3FAF]  }
0x28: {  	s2 =	sld [smem:$0x3FB0]  }
0x29: {  	s4 =	sld [smem:$0x3FB2]  }
0x2a: {  	p0 =	seq.s32 s5, $0x0;
	s5 =	sld [smem:$0x3FB3]  }
0x2b: {  	s6 =	sld [smem:$0x3FB4]  }
0x2c: {  	s7 =	sld [smem:$0x3FB5]  }
0x2d: {  	s3 =	simm.s32 $0x108;
	s8 =	sld [smem:$0x3FB6]  }
0x2e: {  	s3 =	simm.s32 @!p0 $0x1082;
	s9 =	sld [smem:$0x3FB7]  }
0x2f: {  	lr =	sadd.s32 s0, s3;
	s0 =	sld [smem:$0x3FAE]  }
0x30: {  	s3 =	sld [smem:$0x3FB1]  }
0x31: {  	[smem:$0x3FBA] =	sst s10  }
0x32: {  	s10 =	sld [smem:$0x3FB8];
	_ =	sdelay $0x3  }
0x33: {  	p0 =	seq.s32 s10, $0x1;
	s10 =	sld [smem:$0x3FBA];
	_ =	sdelay $0x3  }
0x34: {  	[smem:$0x3FBA] =	sst s10  }
0x35: {  	s10 =	sld [smem:$0x3FB9];
	_ =	sdelay $0x3  }
0x36: {  	p1 =	seq.s32 s10, $0x1;
	s10 =	sld [smem:$0x3FBA];
	_ =	sdelay $0x3  }
0x37: {  	[smem:$0x3FBA] =	sst s10  }
0x38: {  	s10 =	sld [smem:$0x3FBB]  }
0x39: {  	_ = 	snop;
	(pc) =	sbr.ind lr, $3  }
0x3a: {  	_ = 	snop  }
0x3b: {  	_ = 	snop  }
0x3c: {  	p2 =	seq.s32 s10, $0x1;
	s10 =	sld [smem:$0x3FBA]  }
0x3d: {  	_ =	shalt  }
0x3e: {  	_ =	shalt  }
0x3f: {  	_ =	shalt  }
0x40: {  	_ =	shalt  }
0x41: {  	_ =	shalt  }
0x42: {  	_ =	shalt  }
0x43: {  	_ =	shalt  }
0x44: {  	_ =	shalt  }
0x45: {  	_ =	shalt  }
0x46: {  	_ =	shalt  }
0x47: {  	_ =	shalt  }
0x48: {  	_ =	shalt  }
0x49: {  	_ =	shalt  }
0x4a: {  	_ =	shalt  }
0x4b: {  	_ =	shalt  }
0x4c: {  	_ =	shalt  }
0x4d: {  	_ =	shalt  }
0x4e: {  	_ =	shalt  }
0x4f: {  	_ =	shalt  }
0x50: {  	_ =	shalt  }
0x51: {  	_ =	shalt  }
0x52: {  	_ =	shalt  }
0x53: {  	_ =	shalt  }
0x54: {  	_ =	shalt  }
0x55: {  	_ =	shalt  }
0x56: {  	_ =	shalt  }
0x57: {  	_ =	shalt  }
0x58: {  	_ =	shalt  }
0x59: {  	_ =	shalt  }
0x5a: {  	_ =	shalt  }
0x5b: {  	_ =	shalt  }
0x5c: {  	_ =	shalt  }
0x5d: {  	_ =	shalt  }
0x5e: {  	_ =	shalt  }
0x5f: {  	_ =	shalt  }
0x60: {  	_ =	shalt  }
0x61: {  	_ =	shalt  }
0x62: {  	_ =	shalt  }
0x63: {  	_ =	shalt  }
0x64: {  	_ =	shalt  }
0x65: {  	_ =	shalt  }
0x66: {  	_ =	shalt  }
0x67: {  	_ =	shalt  }
0x68: {  	_ =	shalt  }
0x69: {  	_ =	shalt  }
0x6a: {  	_ =	shalt  }
0x6b: {  	_ =	shalt  }
0x6c: {  	_ =	shalt  }
0x6d: {  	_ =	shalt  }
0x6e: {  	_ =	shalt  }
0x6f: {  	_ =	shalt  }
0x70: {  	_ =	shalt  }
0x71: {  	_ =	shalt  }
0x72: {  	_ =	shalt  }
0x73: {  	_ =	shalt  }
0x74: {  	_ =	shalt  }
0x75: {  	_ =	shalt  }
0x76: {  	_ =	shalt  }
0x77: {  	_ =	shalt  }
0x78: {  	_ =	shalt  }
0x79: {  	_ =	shalt  }
0x7a: {  	_ =	shalt  }
0x7b: {  	_ =	shalt  }
0x7c: {  	_ =	shalt  }
0x7d: {  	_ =	shalt  }
0x7e: {  	_ =	shalt  }
0x7f: {  	_ =	shalt  }
0x80: {  	_ =	shalt  }
0x81: {  	_ =	shalt  }
0x82: {  	_ =	shalt  }
0x83: {  	_ =	shalt  }
0x84: {  	_ =	shalt  }
0x85: {  	_ =	shalt  }
0x86: {  	_ =	shalt  }
0x87: {  	_ =	shalt  }
.Lfunc_end0:
.L_simem_size_0:
called_computation_lowered:
.L_overlay_start_0:
0x88: {  	s0 =	sld [smem:$0x3FD9]  }
0x89: {  	s1 =	sld [smem:$0x3FFE];
	_ =	sdelay $0x3  }
0x8a: {  	s0 =	sadd.s32 s1, s0  }
0x8b: {  	[smem:$0x3FC6] =	sst s0  }
0x8c: {  	_ = 	snop  }
0x8d: {  	s0 =	sld [smem:$0x3FC9]  }
0x8e: {  	s17 =	sld [smem:$0x3FC8]  }
0x8f: {  	s2 =	sld [smem:$0x3FD0];
	(tm) =	ssettm $0x1  }
0x90: {  	s3 =	sld [smem:$0x3FFB];
	_ =	sdelay $0x3  }
0x91: {  	_ =	strace s3  }
0x92: {  	s3 =	sld [smem:$0x3FFC];
	_ =	sdelay $0x3  }
0x93: {  	_ =	strace s3  }
0x94: {  	s3 =	sld [smem:$0x3FFD];
	_ =	sdelay $0x3  }
0x95: {  	_ =	strace s3  }
0x96: {  	_ =	strace $0x8FFFFFFF  }
0x97: {  	s18 =	sld [smem:$0x3FDB];
	_ =	sdelay $0x1  }
0x98: {  	s4 =	simm.s32 $_scs_section_size  }
0x99: {  	s5 =	simm.s32 $_size__tile_overlayer_lowered;
	s6 =	simm.s32 $_tile_overlayer_lowered  }
0x9a: {  	s21 =	simm.s32 $0x1BFF;
	s20 =	sshll.u32 s6, $0x1;
	s3 =	sadd.s32 s4, s18  }
0x9b: {  	s7 =	simm.s32 $0x0;
	s19 =	sshll.u32 s5, $0x1;
	s5 =	sadd.s32 s20, s3  }
0x9c: {  	[timem:s7], [sflag:s21] =	dma.local [hbm:s5], s19  }
0x9d: {  	_ =	swait.ge [sflag:s21], s19  }
0x9e: {  	s4 =	ssub.s32 $0x0, s19;
	[sflag:s21] =	ssyncset.done $0x0  }
0x9f: {  	[sflag:s21] =	ssyncadd.s32 s4;
	_ =	sdelay $0x1  }
0xa0: {  	s22 =	simm.s32 $0x1B8B  }
0xa1: {  	_ =	swait.ge [sflag:s22], $0x1  }
0xa2: {  	[sflag:s22] =	ssyncset.done $0x0  }
0xa3: {  	s23 =	simm.s32 $0x1B8E;
	[sflag:s22] =	ssyncadd.s32 $0xFFFFFFFF  }
0xa4: {  	s24 =	simm.s32 $execute0_lowered;
	[smem:$0x3FD2] =	sst s23  }
0xa5: {  	s4 =	sshll.u32 s24, $0x1;
	_ =	strace $0x80000046;
	[dreg:$0x1] =	wrdreg $0xFFFFFFFF  }
0xa6: {  	s25 =	simm.s32 $_size_execute0_lowered;
	s3 =	sadd.s32 s3, s4;
	[dreg:$0x0] =	wrdreg $0x0  }
0xa7: {  	s4 =	sshll.u32 s25, $0x1;
	[dreg:$0x2] =	wrdreg s3  }
0xa8: {  	[dreg:$0x3] =	wrdreg s4  }
0xa9: {  	[dreg:$0x4] =	wrdreg $0xC0  }
0xaa: {  	_ =	task [dreg:s7], $0x5FFFF  }
0xab: {  	[dreg:$0x1] =	wrdreg $0xFFFFFFFF  }
0xac: {  	[dreg:$0x0] =	wrdreg $0x60  }
0xad: {  	[dreg:$0x2] =	wrdreg s0  }
0xae: {  	[dreg:$0x3] =	wrdreg s17  }
0xaf: {  	[dreg:$0x4] =	wrdreg s2  }
0xb0: {  	[dreg:$0x5] =	wrdreg $0x9  }
0xb1: {  	_ =	task.clear_ibuf [dreg:s7], $0x6FFFF;
	_ =	strace $0x90000046  }
0xb2: {  	s26 =	simm.s32 $0x9;
	_ =	strace $0x80000048  }
0xb3: {  	_ =	swait.ge [sflag:s26], $0x1  }
0xb4: {  	[sflag:s26] =	ssyncadd.s32 $0xFFFFFFFF  }
0xb5: {  	_ =	strace $0x90000048  }
0xb6: {  	_ =	sfence  }
0xb7: {  	s28 =	sld [smem:$0x0];
	_ =	sdelay $0x1  }
0xb8: {  	s29 =	srdreg.scid  }
0xb9: {  	s30 =	sshll.u32 s29, $0xD;
	s31 =	sshrl.u32 s29, $0x2  }
0xba: {  	s1 =	sand.u32 $0x1, s29;
	s2 =	sand.u32 $0x4000, s30;
	s0 =	sadd.s32 s31, s28  }
0xbb: {  	s1 =	sor.u32 s2, s1;
	s0 =	sshll.u32 s0, $0x11  }
0xbc: {  	s0 =	sor.u32 s0, s1  }
0xbd: {  	s0 =	sadd.s32 $0x8F2B, s0  }
0xbe: {  	[sflag:s0] =	ssyncadd.remote.s32 $0x1  }
0xbf: {  	_ =	sfence.sel $0xFFFF  }
0xc0: {  	[dreg:$0x0] =	wrdreg $0xFFFFFFFF;
	(pc) =	sbr.abs _section_cstart, $3  }
0xc1: {  	[dreg:$0x1] =	wrdreg $0xFFFFFFFF  }
0xc2: {  	_ =	task.clear_ibuf [dreg:s7], $0x2FFFF;
	_ =	strace $0x9FFFFFFF  }
0xc3: {  	(tm) =	ssettm $0x7FFFFFFF  }
tec
execute0_lowered:
.L_overlay_start_1:
0x0: {  	(tag) =	ssettag $0x1  }
0x1: {  	s1 =	stileid.u32  }
0x2: {  	p0 =	sgt.u32 s1, $0x3  }
.Ltmp0:
0x3: {  	s4 =	rddreg [dreg:$0x0];
	(pc) =	sbr.rel @p0 .LBB2_2-.Ltmp0, $4  }
0x4: {  	s5 =	rddreg [dreg:$0x1]  }
0x5: {  	s3 =	rddreg [dreg:$0x2];
	s2 =	simm.s32 $0x0  }
0x6: {  	[smem:$0x7FF] =	sst s2  }
0x7: {  	s0 =	rddreg [dreg:$0x3];
	_ =	strace $0x80000047  }
0x8: {  	[tilespmem:s2], [sflag:$0x2] =	stream.linear.gather [hbm4b:s4+s2], $0x1, $0x38;
	[tilespmem:$0x900] =	vst v63  }
0x9: {  	s24 =	simm.s32 $0x2  }
0xa: {  	_ =	swait.ge [sflag:s24], $0x1  }
0xb: {  	[sflag:s24] =	ssyncset.done $0x0  }
0xc: {  	[sflag:s24] =	ssyncadd.s32 $0xFFFFFFFF  }
0xd: {  	v0 =	vld [tilespmem:$0x0];
	_ =	sdelay $0x4  }
0xe: {  	(v2sf) =	vpush v0, $0x0;
	_ =	sdelay $0xe  }
0xf: {  	s6 =	spop (v2sf)  }
0x10: {  	s7 =	smul.u32 $0xF42800, s1;
	s8 =	sshll.u32 s6, $0x3  }
0x11: {  	s8 =	sand.u32 $0x7FFFFC00, s8  }
0x12: {  	s7 =	sadd.s32 s7, s8  }
0x13: {  	s25 =	simm.s32 $0x400;
	s26 =	simm.s32 $0x7A1400;
	s7 =	sshrl.u32 s7, $0x3  }
0x14: {  	s9 =	simm.s32 $0x80;
	s28 =	simm.s32 $0x1;
	s5 =	sadd.s32 s5, s7  }
0x15: {  	[tilespmem:s9], [sflag:$0x1] =	stream.strided.gather [hbm4b:s5+s25], $0x800, s26, s25, $0x38;
	[tilespmem:$0x900] =	vst v63  }
0x16: {  	_ =	swait.ge [sflag:s28], $0x800  }
0x17: {  	[sflag:s28] =	ssyncset.done $0x0  }
0x18: {  	s29 =	sand.u32 $0x70, s6;
	[sflag:s28] =	ssyncadd.s32 $0xFFFFF800  }
0x19: {  	v42 =	vld [tilespmem:s29+$0x80]  }
0x1a: {  	v1 =	vld [tilespmem:s29+$0x100]  }
0x1b: {  	v2 =	vld [tilespmem:s29+$0x180]  }
0x1c: {  	v3 =	vld [tilespmem:s29+$0x200]  }
0x1d: {  	s6 =	sand.u32 $0xF, s6;
	v4 =	vld [tilespmem:s29+$0x280]  }
0x1e: {  	v5 =	vmov s6;
	v6 =	vld [tilespmem:s29+$0x300]  }
0x1f: {  	v7 =	vld [tilespmem:s29+$0x380];
	v0 =	vperm.xlane v42, v5;
	v1 =	vperm.xlane v1, v5  }
0x20: {  	vm0 =	vmmov $0x1;
	v8 =	vld [tilespmem:s29+$0x400];
	v2 =	vperm.xlane v2, v5  }
0x21: {  	vm14 =	vmmov $0x3;
	v44 =	vld [tilespmem:s29+$0x480];
	v43 =	vperm.xlane v3, v5;
	v0 =	vsel vm0, v0, v1  }
0x22: {  	vm15 =	vmmov $0x7;
	v46 =	vld [tilespmem:s29+$0x500];
	v45 =	vperm.xlane v4, v5;
	v0 =	vsel vm14, v0, v2  }
0x23: {  	vm4 =	vmmov $0xf;
	v48 =	vld [tilespmem:s29+$0x580];
	v47 =	vperm.xlane v6, v5;
	v0 =	vsel vm15, v0, v43  }
0x24: {  	vm5 =	vmmov $0x1f;
	v50 =	vld [tilespmem:s29+$0x600];
	v49 =	vperm.xlane v7, v5;
	v0 =	vsel vm4, v0, v45  }
0x25: {  	vm6 =	vmmov $0x3f;
	v52 =	vld [tilespmem:s29+$0x680];
	v51 =	vperm.xlane v8, v5;
	v0 =	vsel vm5, v0, v47  }
0x26: {  	vm7 =	vmmov $0x7f;
	v54 =	vld [tilespmem:s29+$0x700];
	v53 =	vperm.xlane v44, v5;
	v0 =	vsel vm6, v0, v49  }
0x27: {  	vm8 =	vmmov $0xff;
	v56 =	vld [tilespmem:s29+$0x780];
	v55 =	vperm.xlane v46, v5;
	v0 =	vsel vm7, v0, v51  }
0x28: {  	vm9 =	vmmov $0x1ff;
	v58 =	vld [tilespmem:s29+$0x800];
	v57 =	vperm.xlane v48, v5;
	v0 =	vsel vm8, v0, v53  }
0x29: {  	vm10 =	vmmov $0x3ff;
	v59 =	vperm.xlane v50, v5;
	v0 =	vsel vm9, v0, v55  }
0x2a: {  	vm11 =	vmmov $0x7ff;
	v60 =	vperm.xlane v52, v5;
	v0 =	vsel vm10, v0, v57  }
0x2b: {  	vm12 =	vmmov $0xfff;
	v61 =	vperm.xlane v54, v5;
	v0 =	vsel vm11, v0, v59  }
0x2c: {  	vm13 =	vmmov $0x1fff;
	v62 =	vperm.xlane v56, v5;
	v0 =	vsel vm12, v0, v60  }
0x2d: {  	v63 =	vperm.xlane v58, v5;
	vm14 =	vmmov $0x3fff;
	v0 =	vsel vm13, v0, v61  }
0x2e: {  	vm15 =	vmmov $0x7fff;
	v0 =	vsel vm14, v0, v62  }
0x2f: {  	s30 =	sshll.u32 s1, $0x1;
	v0 =	vsel vm15, v0, v63  }
0x30: {  	s31 =	simm.s32 $0x880;
	s3 =	sadd.s32 s3, s30;
	[tilespmem:$0x880] =	vst v0  }
0x31: {  	[hbm4b:s3+s2] =	stream.linear.scatter [tilespmem:s31], [sflag:$0x2], $0x10, $0x38;
	[tilespmem:$0x900] =	vst v63  }
0x32: {  	_ =	swait.ge [sflag:s24], $0x10  }
0x33: {  	[sflag:s24] =	ssyncset.done $0x0  }
0x34: {  	[sflag:s24] =	ssyncadd.s32 $0xFFFFFFF0  }
.LBB2_2:
0x35: {  	_ =	sfence.sel $0x180000  }
0x36: {  	[bflag:$0x0] =	sbarrier.arrive $0xFFFF  }
0x37: {  	p0 =	sne.s32 s1, $0x0;
	_ =	strace $0x90000047  }
0x38: {  	s0 =	sadd.s32 @!p0 $0x100000, s0;
	[bflag:$0x2] =	sbarrier.arrive $0xFFFF  }
0x39: {  	[sflag:s0] =	ssyncadd.tile.s32 @!p0 $0x1;
	_ =	shalt  }
.Lfunc_end2:
_tile_overlayer_lowered:
.L_overlay_start_2:
0x3a: {  	(tag) =	ssettag $0x2  }
0x3b: {  	s0 =	rddreg [dreg:$0x0];
	s2 =	stileid.u32  }
0x3c: {  	s1 =	rddreg [dreg:$0x1];
	p0 =	sne.s32 s2, $0x0  }
0x3d: {  	s3 =	rddreg [dreg:$0x2];
	[bflag:$0x3] =	sbarrier.arrive $0xFFFF;
	s2 =	simm.s32 @!p0 $0x1C02  }
0x3e: {  	[timem:s3], [sflag:s2] =	dma.local @!p0 [hbm:s0], s1  }
0x3f: {  	s0 =	simm.s32 @!p0 $0x2  }
0x40: {  	_ =	swait.ge @!p0 [sflag:s0], s1  }
0x41: {  	s1 =	ssub.s32 @!p0 $0x0, s1;
	[sflag:s0] =	ssyncset.done @!p0 $0x0  }
0x42: {  	[sflag:s0] =	ssyncadd.s32 @!p0 s1  }
0x43: {  	[bflag:$0x3] =	sbarrier.arrive $0xFFFF  }
0x44: {  	_ =	shalt  }

</sc_bundles>
